<compile_context>
chip_gen: v7x
topology: tpu7x:2x2x1
jax: 0.10.2.dev20260603
libtpu: 0.0.44.dev20260713+nightly
codegen_flags: <defaults>
</compile_context>

<pallas_src>
import functools

import jax
import jax.numpy as jnp
from jax import lax
from jax.experimental import pallas as pl
from jax.experimental.pallas import tpu as pltpu
from jax.experimental.pallas import tpu_sc as plsc

_B = 4096
_V = 100000
_D = 64
_L = 16
_UNROLL = 4


@jax.jit
def _gmf(user_ids, item_ids, user_table, item_table):
    info = plsc.get_sparse_core_info()
    nc, ns = info.num_cores, info.num_subcores
    nw = nc * ns
    d_per_w = _D // nw

    utT = user_table.T
    itT = item_table.T

    mesh = plsc.VectorSubcoreMesh(core_axis_name="c", subcore_axis_name="s")

    @functools.partial(
        pl.kernel,
        mesh=mesh,
        out_type=jax.ShapeDtypeStruct((_D, _B), jnp.float32),
        scratch_types=[
            pltpu.VMEM((_B,), jnp.int32),
            pltpu.VMEM((_B,), jnp.int32),
            pltpu.VMEM((1, _V), jnp.float32),
            pltpu.VMEM((_B,), jnp.float32),
            pltpu.VMEM((d_per_w, _B), jnp.float32),
            pltpu.SemaphoreType.DMA,
            pltpu.SemaphoreType.DMA,
        ],
        compiler_params=pltpu.CompilerParams(needs_layout_passes=False),
    )
    def k(uid_hbm, iid_hbm, utT_hbm, itT_hbm, outT_hbm,
          uids_v, iids_v, col_v, ugath_v, orows_v, sem_ids, sem_out):
        wid = lax.axis_index("s") * nc + lax.axis_index("c")
        cu_ids = pltpu.async_copy(uid_hbm, uids_v, sem_ids)
        ci_ids = pltpu.async_copy(iid_hbm, iids_v, sem_ids)

        zeros = jnp.zeros((_L,), jnp.int32)
        out_copies = []

        for dd in range(d_per_w):
            d = wid * d_per_w + dd
            pltpu.sync_copy(utT_hbm.at[pl.ds(d, 1), :], col_v)
            if dd == 0:
                cu_ids.wait()
                ci_ids.wait()

            def gath_u(kk, carry):
                for q in range(_UNROLL):
                    s = pl.ds((kk * _UNROLL + q) * _L, _L)
                    ugath_v[s] = plsc.load_gather(col_v, [zeros, uids_v[s]])
                return carry

            lax.fori_loop(0, _B // (_L * _UNROLL), gath_u, 0)
            pltpu.sync_copy(itT_hbm.at[pl.ds(d, 1), :], col_v)

            def gath_i(kk, carry):
                for q in range(_UNROLL):
                    s = pl.ds((kk * _UNROLL + q) * _L, _L)
                    orows_v[dd, s] = ugath_v[s] * plsc.load_gather(
                        col_v, [zeros, iids_v[s]])
                return carry

            lax.fori_loop(0, _B // (_L * _UNROLL), gath_i, 0)
            out_copies.append(pltpu.async_copy(
                orows_v.at[pl.ds(dd, 1), :],
                outT_hbm.at[pl.ds(d, 1), :], sem_out))

        for c in out_copies:
            c.wait()

    outT = k(user_ids, item_ids, utT, itT)
    return outT.T


def kernel(user_ids, item_ids, user_table, item_table):
    return _gmf(user_ids, item_ids, user_table, item_table)

# --- scband reference (transcript-rebuilt; emitter-appended) ---
"""Pipeline reference for scband-gmf-28518582846187 (READ-ONLY COPY).

The authoritative reference and input builder live on the scoring server;
editing this copy changes nothing except your own understanding.
"""

import jax, jax.numpy as jnp
import numpy as np

def setup_inputs(seed: int = 0) -> dict:
    key = jax.random.key(seed)
    k1, k2, k3, k4 = jax.random.split(key, 4)
    B = 4096
    V = 100000
    D = 64
    user_ids = jax.random.randint(k1, (B,), 0, V, dtype=jnp.int64 if jax.config.jax_enable_x64 else jnp.int32).astype(jnp.int32)
    item_ids = jax.random.randint(k2, (B,), 0, V, dtype=jnp.int64 if jax.config.jax_enable_x64 else jnp.int32).astype(jnp.int32)
    user_table = jax.random.normal(k3, (V, D), dtype=jnp.float32)
    item_table = jax.random.normal(k4, (V, D), dtype=jnp.float32)
    return {"user_ids": user_ids, "item_ids": item_ids, "user_table": user_table, "item_table": item_table}

def reference(user_ids, item_ids, user_table, item_table):
    # Tokenizer.look_up -> embedding gathers for (user, item) sparse features
    user_embeddings = jnp.take(user_table, user_ids, axis=0)  # [B, D]
    item_embeddings = jnp.take(item_table, item_ids, axis=0)  # [B, D]
    # GMF: elementwise product, flattened over feature dims
    out = (user_embeddings * item_embeddings).reshape(user_embeddings.shape[0], -1)
    return out

if __name__ == "__main__":
    import jax
    _d = setup_inputs()
    print(jax.jit(kernel)(*tuple(_d.values())))

</pallas_src>

<mosaic_0001>
#map = affine_map<(d0, d1) -> (0)>
#map1 = affine_map<(d0, d1) -> (0, 0)>
module attributes {stable_mosaic.version = 14 : i64} {
  func.func @k(%arg0: i32, %arg1: i32, %arg2: memref<4096xi32, #tpu.memory_space<hbm>>, %arg3: memref<4096xi32, #tpu.memory_space<hbm>>, %arg4: memref<64x100000xf32, #tpu.memory_space<hbm>>, %arg5: memref<64x100000xf32, #tpu.memory_space<hbm>>, %arg6: memref<64x4096xf32, #tpu.memory_space<hbm>>, %arg7: memref<4096xi32, #tpu.memory_space<vmem>>, %arg8: memref<4096xi32, #tpu.memory_space<vmem>>, %arg9: memref<1x100000xf32, #tpu.memory_space<vmem>>, %arg10: memref<4096xf32, #tpu.memory_space<vmem>>, %arg11: memref<2x4096xf32, #tpu.memory_space<vmem>>, %arg12: memref<!tpu.dma_semaphore, #tpu.memory_space<semaphore_mem>>, %arg13: memref<!tpu.dma_semaphore, #tpu.memory_space<semaphore_mem>>) attributes {dimension_semantics = [#tpu.dimension_semantics<core_parallel>, #tpu.dimension_semantics<subcore_parallel>], iteration_bounds = array<i64: 2, 16>, scalar_prefetch = 0 : i64, scratch_operands = 7 : i64, tpu.core_type = #tpu.core_type<sc_vector_subcore>, window_params = [{transform_indices = #map}, {transform_indices = #map}, {transform_indices = #map1}, {transform_indices = #map1}, {transform_indices = #map1}]} {
    %mul3A = arith.constant 2 : i32
    %mul3A_0 = arith.muli %arg1, %mul3A : i32
    %add3A = arith.addi %mul3A_0, %arg0 : i32
    tpu.enqueue_dma source(%arg2 : memref<4096xi32, #tpu.memory_space<hbm>>) target(%arg7 : memref<4096xi32, #tpu.memory_space<vmem>>) target_semaphore(%arg12 : memref<!tpu.dma_semaphore, #tpu.memory_space<semaphore_mem>>)
    tpu.enqueue_dma source(%arg3 : memref<4096xi32, #tpu.memory_space<hbm>>) target(%arg8 : memref<4096xi32, #tpu.memory_space<vmem>>) target_semaphore(%arg12 : memref<!tpu.dma_semaphore, #tpu.memory_space<semaphore_mem>>)
    %broadcast_in_dim3A = arith.constant 0 : i32
    %broadcast_in_dim3A_1 = vector.broadcast %broadcast_in_dim3A : i32 to vector<16xi32>
    %mul3A_2 = arith.constant 2 : i32
    %mul3A_3 = arith.muli %add3A, %mul3A_2 : i32
    %add3A_4 = arith.constant 0 : i32
    %add3A_5 = arith.addi %mul3A_3, %add3A_4 : i32
    "tpu.region"() ({
      %run_scoped3A = tpu.sem_alloc : memref<!tpu.dma_semaphore, #tpu.memory_space<semaphore_mem>>
      %dma_start3A_71 = arith.constant 0 : i32
      %dma_start3A_72 = tpu.memref_slice %arg4[%add3A_5, %dma_start3A_71] : memref<64x100000xf32, #tpu.memory_space<hbm>> -> memref<1x100000xf32, #tpu.memory_space<hbm>>
      %dma_start3A_73 = arith.constant 0 : i32
      %dma_start3A_74 = tpu.memref_slice %arg4[%add3A_5, %dma_start3A_73] : memref<64x100000xf32, #tpu.memory_space<hbm>> -> memref<1x100000xf32, #tpu.memory_space<hbm>>
      tpu.enqueue_dma source(%dma_start3A_74 : memref<1x100000xf32, #tpu.memory_space<hbm>>) target(%arg9 : memref<1x100000xf32, #tpu.memory_space<vmem>>) target_semaphore(%run_scoped3A : memref<!tpu.dma_semaphore, #tpu.memory_space<semaphore_mem>>)
      %dma_wait3A_75 = arith.constant 0 : i32
      %dma_wait3A_76 = tpu.memref_slice %arg4[%add3A_5, %dma_wait3A_75] : memref<64x100000xf32, #tpu.memory_space<hbm>> -> memref<1x100000xf32, #tpu.memory_space<hbm>>
      %dma_wait3A_77 = arith.constant 0 : i32
      %dma_wait3A_78 = tpu.memref_slice %arg4[%add3A_5, %dma_wait3A_77] : memref<64x100000xf32, #tpu.memory_space<hbm>> -> memref<1x100000xf32, #tpu.memory_space<hbm>>
      tpu.wait_dma2 semaphore(%run_scoped3A : memref<!tpu.dma_semaphore, #tpu.memory_space<semaphore_mem>>) src(%dma_wait3A_78 : memref<1x100000xf32, #tpu.memory_space<hbm>>) dst(%arg9 : memref<1x100000xf32, #tpu.memory_space<vmem>>)
      tpu.yield
    }) : () -> ()
    tpu.wait_dma2 semaphore(%arg12 : memref<!tpu.dma_semaphore, #tpu.memory_space<semaphore_mem>>) src(%arg2 : memref<4096xi32, #tpu.memory_space<hbm>>) dst(%arg7 : memref<4096xi32, #tpu.memory_space<vmem>>)
    tpu.wait_dma2 semaphore(%arg12 : memref<!tpu.dma_semaphore, #tpu.memory_space<semaphore_mem>>) src(%arg3 : memref<4096xi32, #tpu.memory_space<hbm>>) dst(%arg8 : memref<4096xi32, #tpu.memory_space<vmem>>)
    %scan3A = arith.constant 0 : i32
    %scan3A_6 = arith.constant 0 : i32
    %scan3A_7 = arith.constant 64 : i32
    %scan3A_8 = arith.addi %scan3A_6, %scan3A_7 : i32
    %scan3A_9 = arith.constant 1 : i32
    scf.for %scan3A_71 = %scan3A_6 to %scan3A_8 step %scan3A_9  : i32 {
      %mul3A_72 = arith.constant 4 : i32
      %mul3A_73 = arith.muli %scan3A_71, %mul3A_72 : i32
      %add3A_74 = arith.constant 0 : i32
      %add3A_75 = arith.addi %mul3A_73, %add3A_74 : i32
      %mul3A_76 = arith.constant 16 : i32
      %mul3A_77 = arith.muli %add3A_75, %mul3A_76 : i32
      %get3A = arith.index_cast %mul3A_77 : i32 to index
      %get3A_78 = tpu.vector_load %arg7[%get3A] {strides = array<i32>} : memref<4096xi32, #tpu.memory_space<vmem>>, vector<16xi32>,
      %gather3A = tpu.vector_load_idx %arg9[%broadcast_in_dim3A_1, %get3A_78] : memref<1x100000xf32, #tpu.memory_space<vmem>>[vector<16xi32>, vector<16xi32>], vector<16xf32>,
      %swap3A = arith.index_cast %mul3A_77 : i32 to index
      %swap3A_79 = tpu.vector_load %arg10[%swap3A] {strides = array<i32>} : memref<4096xf32, #tpu.memory_space<vmem>>, vector<16xf32>,
      tpu.vector_store %arg10[%swap3A], %gather3A {strides = array<i32>} : memref<4096xf32, #tpu.memory_space<vmem>>, vector<16xf32>,
      %mul3A_80 = arith.constant 4 : i32
      %mul3A_81 = arith.muli %scan3A_71, %mul3A_80 : i32
      %add3A_82 = arith.constant 1 : i32
      %add3A_83 = arith.addi %mul3A_81, %add3A_82 : i32
      %mul3A_84 = arith.constant 16 : i32
      %mul3A_85 = arith.muli %add3A_83, %mul3A_84 : i32
      %get3A_86 = arith.index_cast %mul3A_85 : i32 to index
      %get3A_87 = tpu.vector_load %arg7[%get3A_86] {strides = array<i32>} : memref<4096xi32, #tpu.memory_space<vmem>>, vector<16xi32>,
      %gather3A_88 = tpu.vector_load_idx %arg9[%broadcast_in_dim3A_1, %get3A_87] : memref<1x100000xf32, #tpu.memory_space<vmem>>[vector<16xi32>, vector<16xi32>], vector<16xf32>,
      %swap3A_89 = arith.index_cast %mul3A_85 : i32 to index
      %swap3A_90 = tpu.vector_load %arg10[%swap3A_89] {strides = array<i32>} : memref<4096xf32, #tpu.memory_space<vmem>>, vector<16xf32>,
      tpu.vector_store %arg10[%swap3A_89], %gather3A_88 {strides = array<i32>} : memref<4096xf32, #tpu.memory_space<vmem>>, vector<16xf32>,
      %mul3A_91 = arith.constant 4 : i32
      %mul3A_92 = arith.muli %scan3A_71, %mul3A_91 : i32
      %add3A_93 = arith.constant 2 : i32
      %add3A_94 = arith.addi %mul3A_92, %add3A_93 : i32
      %mul3A_95 = arith.constant 16 : i32
      %mul3A_96 = arith.muli %add3A_94, %mul3A_95 : i32
      %get3A_97 = arith.index_cast %mul3A_96 : i32 to index
      %get3A_98 = tpu.vector_load %arg7[%get3A_97] {strides = array<i32>} : memref<4096xi32, #tpu.memory_space<vmem>>, vector<16xi32>,
      %gather3A_99 = tpu.vector_load_idx %arg9[%broadcast_in_dim3A_1, %get3A_98] : memref<1x100000xf32, #tpu.memory_space<vmem>>[vector<16xi32>, vector<16xi32>], vector<16xf32>,
      %swap3A_100 = arith.index_cast %mul3A_96 : i32 to index
      %swap3A_101 = tpu.vector_load %arg10[%swap3A_100] {strides = array<i32>} : memref<4096xf32, #tpu.memory_space<vmem>>, vector<16xf32>,
      tpu.vector_store %arg10[%swap3A_100], %gather3A_99 {strides = array<i32>} : memref<4096xf32, #tpu.memory_space<vmem>>, vector<16xf32>,
      %mul3A_102 = arith.constant 4 : i32
      %mul3A_103 = arith.muli %scan3A_71, %mul3A_102 : i32
      %add3A_104 = arith.constant 3 : i32
      %add3A_105 = arith.addi %mul3A_103, %add3A_104 : i32
      %mul3A_106 = arith.constant 16 : i32
      %mul3A_107 = arith.muli %add3A_105, %mul3A_106 : i32
      %get3A_108 = arith.index_cast %mul3A_107 : i32 to index
      %get3A_109 = tpu.vector_load %arg7[%get3A_108] {strides = array<i32>} : memref<4096xi32, #tpu.memory_space<vmem>>, vector<16xi32>,
      %gather3A_110 = tpu.vector_load_idx %arg9[%broadcast_in_dim3A_1, %get3A_109] : memref<1x100000xf32, #tpu.memory_space<vmem>>[vector<16xi32>, vector<16xi32>], vector<16xf32>,
      %swap3A_111 = arith.index_cast %mul3A_107 : i32 to index
      %swap3A_112 = tpu.vector_load %arg10[%swap3A_111] {strides = array<i32>} : memref<4096xf32, #tpu.memory_space<vmem>>, vector<16xf32>,
      tpu.vector_store %arg10[%swap3A_111], %gather3A_110 {strides = array<i32>} : memref<4096xf32, #tpu.memory_space<vmem>>, vector<16xf32>,
    }
    %scan3A_10 = arith.constant 64 : i32
    "tpu.region"() ({
      %run_scoped3A = tpu.sem_alloc : memref<!tpu.dma_semaphore, #tpu.memory_space<semaphore_mem>>
      %dma_start3A_71 = arith.constant 0 : i32
      %dma_start3A_72 = tpu.memref_slice %arg5[%add3A_5, %dma_start3A_71] : memref<64x100000xf32, #tpu.memory_space<hbm>> -> memref<1x100000xf32, #tpu.memory_space<hbm>>
      %dma_start3A_73 = arith.constant 0 : i32
      %dma_start3A_74 = tpu.memref_slice %arg5[%add3A_5, %dma_start3A_73] : memref<64x100000xf32, #tpu.memory_space<hbm>> -> memref<1x100000xf32, #tpu.memory_space<hbm>>
      tpu.enqueue_dma source(%dma_start3A_74 : memref<1x100000xf32, #tpu.memory_space<hbm>>) target(%arg9 : memref<1x100000xf32, #tpu.memory_space<vmem>>) target_semaphore(%run_scoped3A : memref<!tpu.dma_semaphore, #tpu.memory_space<semaphore_mem>>)
      %dma_wait3A_75 = arith.constant 0 : i32
      %dma_wait3A_76 = tpu.memref_slice %arg5[%add3A_5, %dma_wait3A_75] : memref<64x100000xf32, #tpu.memory_space<hbm>> -> memref<1x100000xf32, #tpu.memory_space<hbm>>
      %dma_wait3A_77 = arith.constant 0 : i32
      %dma_wait3A_78 = tpu.memref_slice %arg5[%add3A_5, %dma_wait3A_77] : memref<64x100000xf32, #tpu.memory_space<hbm>> -> memref<1x100000xf32, #tpu.memory_space<hbm>>
      tpu.wait_dma2 semaphore(%run_scoped3A : memref<!tpu.dma_semaphore, #tpu.memory_space<semaphore_mem>>) src(%dma_wait3A_78 : memref<1x100000xf32, #tpu.memory_space<hbm>>) dst(%arg9 : memref<1x100000xf32, #tpu.memory_space<vmem>>)
      tpu.yield
    }) : () -> ()
    %scan3A_11 = arith.constant 0 : i32
    %scan3A_12 = arith.constant 0 : i32
    %scan3A_13 = arith.constant 64 : i32
    %scan3A_14 = arith.addi %scan3A_12, %scan3A_13 : i32
    %scan3A_15 = arith.constant 1 : i32
    scf.for %scan3A_71 = %scan3A_12 to %scan3A_14 step %scan3A_15  : i32 {
      %mul3A_72 = arith.constant 4 : i32
      %mul3A_73 = arith.muli %scan3A_71, %mul3A_72 : i32
      %add3A_74 = arith.constant 0 : i32
      %add3A_75 = arith.addi %mul3A_73, %add3A_74 : i32
      %mul3A_76 = arith.constant 16 : i32
      %mul3A_77 = arith.muli %add3A_75, %mul3A_76 : i32
      %get3A = arith.index_cast %mul3A_77 : i32 to index
      %get3A_78 = tpu.vector_load %arg10[%get3A] {strides = array<i32>} : memref<4096xf32, #tpu.memory_space<vmem>>, vector<16xf32>,
      %get3A_79 = arith.index_cast %mul3A_77 : i32 to index
      %get3A_80 = tpu.vector_load %arg8[%get3A_79] {strides = array<i32>} : memref<4096xi32, #tpu.memory_space<vmem>>, vector<16xi32>,
      %gather3A = tpu.vector_load_idx %arg9[%broadcast_in_dim3A_1, %get3A_80] : memref<1x100000xf32, #tpu.memory_space<vmem>>[vector<16xi32>, vector<16xi32>], vector<16xf32>,
      %mul3A_81 = arith.mulf %get3A_78, %gather3A : vector<16xf32>
      %swap3A = arith.constant 0 : i32
      %swap3A_82 = arith.index_cast %swap3A : i32 to index
      %swap3A_83 = arith.index_cast %mul3A_77 : i32 to index
      %swap3A_84 = tpu.vector_load %arg11[%swap3A_82, %swap3A_83] {strides = array<i32>} : memref<2x4096xf32, #tpu.memory_space<vmem>>, vector<16xf32>,
      tpu.vector_store %arg11[%swap3A_82, %swap3A_83], %mul3A_81 {strides = array<i32>} : memref<2x4096xf32, #tpu.memory_space<vmem>>, vector<16xf32>,
      %mul3A_85 = arith.constant 4 : i32
      %mul3A_86 = arith.muli %scan3A_71, %mul3A_85 : i32
      %add3A_87 = arith.constant 1 : i32
      %add3A_88 = arith.addi %mul3A_86, %add3A_87 : i32
      %mul3A_89 = arith.constant 16 : i32
      %mul3A_90 = arith.muli %add3A_88, %mul3A_89 : i32
      %get3A_91 = arith.index_cast %mul3A_90 : i32 to index
      %get3A_92 = tpu.vector_load %arg10[%get3A_91] {strides = array<i32>} : memref<4096xf32, #tpu.memory_space<vmem>>, vector<16xf32>,
      %get3A_93 = arith.index_cast %mul3A_90 : i32 to index
      %get3A_94 = tpu.vector_load %arg8[%get3A_93] {strides = array<i32>} : memref<4096xi32, #tpu.memory_space<vmem>>, vector<16xi32>,
      %gather3A_95 = tpu.vector_load_idx %arg9[%broadcast_in_dim3A_1, %get3A_94] : memref<1x100000xf32, #tpu.memory_space<vmem>>[vector<16xi32>, vector<16xi32>], vector<16xf32>,
      %mul3A_96 = arith.mulf %get3A_92, %gather3A_95 : vector<16xf32>
      %swap3A_97 = arith.constant 0 : i32
      %swap3A_98 = arith.index_cast %swap3A_97 : i32 to index
      %swap3A_99 = arith.index_cast %mul3A_90 : i32 to index
      %swap3A_100 = tpu.vector_load %arg11[%swap3A_98, %swap3A_99] {strides = array<i32>} : memref<2x4096xf32, #tpu.memory_space<vmem>>, vector<16xf32>,
      tpu.vector_store %arg11[%swap3A_98, %swap3A_99], %mul3A_96 {strides = array<i32>} : memref<2x4096xf32, #tpu.memory_space<vmem>>, vector<16xf32>,
      %mul3A_101 = arith.constant 4 : i32
      %mul3A_102 = arith.muli %scan3A_71, %mul3A_101 : i32
      %add3A_103 = arith.constant 2 : i32
      %add3A_104 = arith.addi %mul3A_102, %add3A_103 : i32
      %mul3A_105 = arith.constant 16 : i32
      %mul3A_106 = arith.muli %add3A_104, %mul3A_105 : i32
      %get3A_107 = arith.index_cast %mul3A_106 : i32 to index
      %get3A_108 = tpu.vector_load %arg10[%get3A_107] {strides = array<i32>} : memref<4096xf32, #tpu.memory_space<vmem>>, vector<16xf32>,
      %get3A_109 = arith.index_cast %mul3A_106 : i32 to index
      %get3A_110 = tpu.vector_load %arg8[%get3A_109] {strides = array<i32>} : memref<4096xi32, #tpu.memory_space<vmem>>, vector<16xi32>,
      %gather3A_111 = tpu.vector_load_idx %arg9[%broadcast_in_dim3A_1, %get3A_110] : memref<1x100000xf32, #tpu.memory_space<vmem>>[vector<16xi32>, vector<16xi32>], vector<16xf32>,
      %mul3A_112 = arith.mulf %get3A_108, %gather3A_111 : vector<16xf32>
      %swap3A_113 = arith.constant 0 : i32
      %swap3A_114 = arith.index_cast %swap3A_113 : i32 to index
      %swap3A_115 = arith.index_cast %mul3A_106 : i32 to index
      %swap3A_116 = tpu.vector_load %arg11[%swap3A_114, %swap3A_115] {strides = array<i32>} : memref<2x4096xf32, #tpu.memory_space<vmem>>, vector<16xf32>,
      tpu.vector_store %arg11[%swap3A_114, %swap3A_115], %mul3A_112 {strides = array<i32>} : memref<2x4096xf32, #tpu.memory_space<vmem>>, vector<16xf32>,
      %mul3A_117 = arith.constant 4 : i32
      %mul3A_118 = arith.muli %scan3A_71, %mul3A_117 : i32
      %add3A_119 = arith.constant 3 : i32
      %add3A_120 = arith.addi %mul3A_118, %add3A_119 : i32
      %mul3A_121 = arith.constant 16 : i32
      %mul3A_122 = arith.muli %add3A_120, %mul3A_121 : i32
      %get3A_123 = arith.index_cast %mul3A_122 : i32 to index
      %get3A_124 = tpu.vector_load %arg10[%get3A_123] {strides = array<i32>} : memref<4096xf32, #tpu.memory_space<vmem>>, vector<16xf32>,
      %get3A_125 = arith.index_cast %mul3A_122 : i32 to index
      %get3A_126 = tpu.vector_load %arg8[%get3A_125] {strides = array<i32>} : memref<4096xi32, #tpu.memory_space<vmem>>, vector<16xi32>,
      %gather3A_127 = tpu.vector_load_idx %arg9[%broadcast_in_dim3A_1, %get3A_126] : memref<1x100000xf32, #tpu.memory_space<vmem>>[vector<16xi32>, vector<16xi32>], vector<16xf32>,
      %mul3A_128 = arith.mulf %get3A_124, %gather3A_127 : vector<16xf32>
      %swap3A_129 = arith.constant 0 : i32
      %swap3A_130 = arith.index_cast %swap3A_129 : i32 to index
      %swap3A_131 = arith.index_cast %mul3A_122 : i32 to index
      %swap3A_132 = tpu.vector_load %arg11[%swap3A_130, %swap3A_131] {strides = array<i32>} : memref<2x4096xf32, #tpu.memory_space<vmem>>, vector<16xf32>,
      tpu.vector_store %arg11[%swap3A_130, %swap3A_131], %mul3A_128 {strides = array<i32>} : memref<2x4096xf32, #tpu.memory_space<vmem>>, vector<16xf32>,
    }
    %scan3A_16 = arith.constant 64 : i32
    %dma_start3A = arith.constant 0 : i32
    %dma_start3A_17 = arith.constant 0 : i32
    %dma_start3A_18 = tpu.memref_slice %arg11[%dma_start3A, %dma_start3A_17] : memref<2x4096xf32, #tpu.memory_space<vmem>> -> memref<1x4096xf32, #tpu.memory_space<vmem>>
    %dma_start3A_19 = arith.constant 0 : i32
    %dma_start3A_20 = tpu.memref_slice %arg6[%add3A_5, %dma_start3A_19] : memref<64x4096xf32, #tpu.memory_space<hbm>> -> memref<1x4096xf32, #tpu.memory_space<hbm>>
    %dma_start3A_21 = arith.constant 0 : i32
    %dma_start3A_22 = tpu.memref_slice %arg6[%add3A_5, %dma_start3A_21] : memref<64x4096xf32, #tpu.memory_space<hbm>> -> memref<1x4096xf32, #tpu.memory_space<hbm>>
    %dma_start3A_23 = arith.constant 0 : i32
    %dma_start3A_24 = arith.constant 0 : i32
    %dma_start3A_25 = tpu.memref_slice %arg11[%dma_start3A_23, %dma_start3A_24] : memref<2x4096xf32, #tpu.memory_space<vmem>> -> memref<1x4096xf32, #tpu.memory_space<vmem>>
    tpu.enqueue_dma source(%dma_start3A_25 : memref<1x4096xf32, #tpu.memory_space<vmem>>) target(%dma_start3A_22 : memref<1x4096xf32, #tpu.memory_space<hbm>>) target_semaphore(%arg13 : memref<!tpu.dma_semaphore, #tpu.memory_space<semaphore_mem>>)
    %mul3A_26 = arith.constant 2 : i32
    %mul3A_27 = arith.muli %add3A, %mul3A_26 : i32
    %add3A_28 = arith.constant 1 : i32
    %add3A_29 = arith.addi %mul3A_27, %add3A_28 : i32
    "tpu.region"() ({
      %run_scoped3A = tpu.sem_alloc : memref<!tpu.dma_semaphore, #tpu.memory_space<semaphore_mem>>
      %dma_start3A_71 = arith.constant 0 : i32
      %dma_start3A_72 = tpu.memref_slice %arg4[%add3A_29, %dma_start3A_71] : memref<64x100000xf32, #tpu.memory_space<hbm>> -> memref<1x100000xf32, #tpu.memory_space<hbm>>
      %dma_start3A_73 = arith.constant 0 : i32
      %dma_start3A_74 = tpu.memref_slice %arg4[%add3A_29, %dma_start3A_73] : memref<64x100000xf32, #tpu.memory_space<hbm>> -> memref<1x100000xf32, #tpu.memory_space<hbm>>
      tpu.enqueue_dma source(%dma_start3A_74 : memref<1x100000xf32, #tpu.memory_space<hbm>>) target(%arg9 : memref<1x100000xf32, #tpu.memory_space<vmem>>) target_semaphore(%run_scoped3A : memref<!tpu.dma_semaphore, #tpu.memory_space<semaphore_mem>>)
      %dma_wait3A_75 = arith.constant 0 : i32
      %dma_wait3A_76 = tpu.memref_slice %arg4[%add3A_29, %dma_wait3A_75] : memref<64x100000xf32, #tpu.memory_space<hbm>> -> memref<1x100000xf32, #tpu.memory_space<hbm>>
      %dma_wait3A_77 = arith.constant 0 : i32
      %dma_wait3A_78 = tpu.memref_slice %arg4[%add3A_29, %dma_wait3A_77] : memref<64x100000xf32, #tpu.memory_space<hbm>> -> memref<1x100000xf32, #tpu.memory_space<hbm>>
      tpu.wait_dma2 semaphore(%run_scoped3A : memref<!tpu.dma_semaphore, #tpu.memory_space<semaphore_mem>>) src(%dma_wait3A_78 : memref<1x100000xf32, #tpu.memory_space<hbm>>) dst(%arg9 : memref<1x100000xf32, #tpu.memory_space<vmem>>)
      tpu.yield
    }) : () -> ()
    %scan3A_30 = arith.constant 0 : i32
    %scan3A_31 = arith.constant 0 : i32
    %scan3A_32 = arith.constant 64 : i32
    %scan3A_33 = arith.addi %scan3A_31, %scan3A_32 : i32
    %scan3A_34 = arith.constant 1 : i32
    scf.for %scan3A_71 = %scan3A_31 to %scan3A_33 step %scan3A_34  : i32 {
      %mul3A_72 = arith.constant 4 : i32
      %mul3A_73 = arith.muli %scan3A_71, %mul3A_72 : i32
      %add3A_74 = arith.constant 0 : i32
      %add3A_75 = arith.addi %mul3A_73, %add3A_74 : i32
      %mul3A_76 = arith.constant 16 : i32
      %mul3A_77 = arith.muli %add3A_75, %mul3A_76 : i32
      %get3A = arith.index_cast %mul3A_77 : i32 to index
      %get3A_78 = tpu.vector_load %arg7[%get3A] {strides = array<i32>} : memref<4096xi32, #tpu.memory_space<vmem>>, vector<16xi32>,
      %gather3A = tpu.vector_load_idx %arg9[%broadcast_in_dim3A_1, %get3A_78] : memref<1x100000xf32, #tpu.memory_space<vmem>>[vector<16xi32>, vector<16xi32>], vector<16xf32>,
      %swap3A = arith.index_cast %mul3A_77 : i32 to index
      %swap3A_79 = tpu.vector_load %arg10[%swap3A] {strides = array<i32>} : memref<4096xf32, #tpu.memory_space<vmem>>, vector<16xf32>,
      tpu.vector_store %arg10[%swap3A], %gather3A {strides = array<i32>} : memref<4096xf32, #tpu.memory_space<vmem>>, vector<16xf32>,
      %mul3A_80 = arith.constant 4 : i32
      %mul3A_81 = arith.muli %scan3A_71, %mul3A_80 : i32
      %add3A_82 = arith.constant 1 : i32
      %add3A_83 = arith.addi %mul3A_81, %add3A_82 : i32
      %mul3A_84 = arith.constant 16 : i32
      %mul3A_85 = arith.muli %add3A_83, %mul3A_84 : i32
      %get3A_86 = arith.index_cast %mul3A_85 : i32 to index
      %get3A_87 = tpu.vector_load %arg7[%get3A_86] {strides = array<i32>} : memref<4096xi32, #tpu.memory_space<vmem>>, vector<16xi32>,
      %gather3A_88 = tpu.vector_load_idx %arg9[%broadcast_in_dim3A_1, %get3A_87] : memref<1x100000xf32, #tpu.memory_space<vmem>>[vector<16xi32>, vector<16xi32>], vector<16xf32>,
      %swap3A_89 = arith.index_cast %mul3A_85 : i32 to index
      %swap3A_90 = tpu.vector_load %arg10[%swap3A_89] {strides = array<i32>} : memref<4096xf32, #tpu.memory_space<vmem>>, vector<16xf32>,
      tpu.vector_store %arg10[%swap3A_89], %gather3A_88 {strides = array<i32>} : memref<4096xf32, #tpu.memory_space<vmem>>, vector<16xf32>,
      %mul3A_91 = arith.constant 4 : i32
      %mul3A_92 = arith.muli %scan3A_71, %mul3A_91 : i32
      %add3A_93 = arith.constant 2 : i32
      %add3A_94 = arith.addi %mul3A_92, %add3A_93 : i32
      %mul3A_95 = arith.constant 16 : i32
      %mul3A_96 = arith.muli %add3A_94, %mul3A_95 : i32
      %get3A_97 = arith.index_cast %mul3A_96 : i32 to index
      %get3A_98 = tpu.vector_load %arg7[%get3A_97] {strides = array<i32>} : memref<4096xi32, #tpu.memory_space<vmem>>, vector<16xi32>,
      %gather3A_99 = tpu.vector_load_idx %arg9[%broadcast_in_dim3A_1, %get3A_98] : memref<1x100000xf32, #tpu.memory_space<vmem>>[vector<16xi32>, vector<16xi32>], vector<16xf32>,
      %swap3A_100 = arith.index_cast %mul3A_96 : i32 to index
      %swap3A_101 = tpu.vector_load %arg10[%swap3A_100] {strides = array<i32>} : memref<4096xf32, #tpu.memory_space<vmem>>, vector<16xf32>,
      tpu.vector_store %arg10[%swap3A_100], %gather3A_99 {strides = array<i32>} : memref<4096xf32, #tpu.memory_space<vmem>>, vector<16xf32>,
      %mul3A_102 = arith.constant 4 : i32
      %mul3A_103 = arith.muli %scan3A_71, %mul3A_102 : i32
      %add3A_104 = arith.constant 3 : i32
      %add3A_105 = arith.addi %mul3A_103, %add3A_104 : i32
      %mul3A_106 = arith.constant 16 : i32
      %mul3A_107 = arith.muli %add3A_105, %mul3A_106 : i32
      %get3A_108 = arith.index_cast %mul3A_107 : i32 to index
      %get3A_109 = tpu.vector_load %arg7[%get3A_108] {strides = array<i32>} : memref<4096xi32, #tpu.memory_space<vmem>>, vector<16xi32>,
      %gather3A_110 = tpu.vector_load_idx %arg9[%broadcast_in_dim3A_1, %get3A_109] : memref<1x100000xf32, #tpu.memory_space<vmem>>[vector<16xi32>, vector<16xi32>], vector<16xf32>,
      %swap3A_111 = arith.index_cast %mul3A_107 : i32 to index
      %swap3A_112 = tpu.vector_load %arg10[%swap3A_111] {strides = array<i32>} : memref<4096xf32, #tpu.memory_space<vmem>>, vector<16xf32>,
      tpu.vector_store %arg10[%swap3A_111], %gather3A_110 {strides = array<i32>} : memref<4096xf32, #tpu.memory_space<vmem>>, vector<16xf32>,
    }
    %scan3A_35 = arith.constant 64 : i32
    "tpu.region"() ({
      %run_scoped3A = tpu.sem_alloc : memref<!tpu.dma_semaphore, #tpu.memory_space<semaphore_mem>>
      %dma_start3A_71 = arith.constant 0 : i32
      %dma_start3A_72 = tpu.memref_slice %arg5[%add3A_29, %dma_start3A_71] : memref<64x100000xf32, #tpu.memory_space<hbm>> -> memref<1x100000xf32, #tpu.memory_space<hbm>>
      %dma_start3A_73 = arith.constant 0 : i32
      %dma_start3A_74 = tpu.memref_slice %arg5[%add3A_29, %dma_start3A_73] : memref<64x100000xf32, #tpu.memory_space<hbm>> -> memref<1x100000xf32, #tpu.memory_space<hbm>>
      tpu.enqueue_dma source(%dma_start3A_74 : memref<1x100000xf32, #tpu.memory_space<hbm>>) target(%arg9 : memref<1x100000xf32, #tpu.memory_space<vmem>>) target_semaphore(%run_scoped3A : memref<!tpu.dma_semaphore, #tpu.memory_space<semaphore_mem>>)
      %dma_wait3A_75 = arith.constant 0 : i32
      %dma_wait3A_76 = tpu.memref_slice %arg5[%add3A_29, %dma_wait3A_75] : memref<64x100000xf32, #tpu.memory_space<hbm>> -> memref<1x100000xf32, #tpu.memory_space<hbm>>
      %dma_wait3A_77 = arith.constant 0 : i32
      %dma_wait3A_78 = tpu.memref_slice %arg5[%add3A_29, %dma_wait3A_77] : memref<64x100000xf32, #tpu.memory_space<hbm>> -> memref<1x100000xf32, #tpu.memory_space<hbm>>
      tpu.wait_dma2 semaphore(%run_scoped3A : memref<!tpu.dma_semaphore, #tpu.memory_space<semaphore_mem>>) src(%dma_wait3A_78 : memref<1x100000xf32, #tpu.memory_space<hbm>>) dst(%arg9 : memref<1x100000xf32, #tpu.memory_space<vmem>>)
      tpu.yield
    }) : () -> ()
    %scan3A_36 = arith.constant 0 : i32
    %scan3A_37 = arith.constant 0 : i32
    %scan3A_38 = arith.constant 64 : i32
    %scan3A_39 = arith.addi %scan3A_37, %scan3A_38 : i32
    %scan3A_40 = arith.constant 1 : i32
    scf.for %scan3A_71 = %scan3A_37 to %scan3A_39 step %scan3A_40  : i32 {
      %mul3A_72 = arith.constant 4 : i32
      %mul3A_73 = arith.muli %scan3A_71, %mul3A_72 : i32
      %add3A_74 = arith.constant 0 : i32
      %add3A_75 = arith.addi %mul3A_73, %add3A_74 : i32
      %mul3A_76 = arith.constant 16 : i32
      %mul3A_77 = arith.muli %add3A_75, %mul3A_76 : i32
      %get3A = arith.index_cast %mul3A_77 : i32 to index
      %get3A_78 = tpu.vector_load %arg10[%get3A] {strides = array<i32>} : memref<4096xf32, #tpu.memory_space<vmem>>, vector<16xf32>,
      %get3A_79 = arith.index_cast %mul3A_77 : i32 to index
      %get3A_80 = tpu.vector_load %arg8[%get3A_79] {strides = array<i32>} : memref<4096xi32, #tpu.memory_space<vmem>>, vector<16xi32>,
      %gather3A = tpu.vector_load_idx %arg9[%broadcast_in_dim3A_1, %get3A_80] : memref<1x100000xf32, #tpu.memory_space<vmem>>[vector<16xi32>, vector<16xi32>], vector<16xf32>,
      %mul3A_81 = arith.mulf %get3A_78, %gather3A : vector<16xf32>
      %swap3A = arith.constant 1 : i32
      %swap3A_82 = arith.index_cast %swap3A : i32 to index
      %swap3A_83 = arith.index_cast %mul3A_77 : i32 to index
      %swap3A_84 = tpu.vector_load %arg11[%swap3A_82, %swap3A_83] {strides = array<i32>} : memref<2x4096xf32, #tpu.memory_space<vmem>>, vector<16xf32>,
      tpu.vector_store %arg11[%swap3A_82, %swap3A_83], %mul3A_81 {strides = array<i32>} : memref<2x4096xf32, #tpu.memory_space<vmem>>, vector<16xf32>,
      %mul3A_85 = arith.constant 4 : i32
      %mul3A_86 = arith.muli %scan3A_71, %mul3A_85 : i32
      %add3A_87 = arith.constant 1 : i32
      %add3A_88 = arith.addi %mul3A_86, %add3A_87 : i32
      %mul3A_89 = arith.constant 16 : i32
      %mul3A_90 = arith.muli %add3A_88, %mul3A_89 : i32
      %get3A_91 = arith.index_cast %mul3A_90 : i32 to index
      %get3A_92 = tpu.vector_load %arg10[%get3A_91] {strides = array<i32>} : memref<4096xf32, #tpu.memory_space<vmem>>, vector<16xf32>,
      %get3A_93 = arith.index_cast %mul3A_90 : i32 to index
      %get3A_94 = tpu.vector_load %arg8[%get3A_93] {strides = array<i32>} : memref<4096xi32, #tpu.memory_space<vmem>>, vector<16xi32>,
      %gather3A_95 = tpu.vector_load_idx %arg9[%broadcast_in_dim3A_1, %get3A_94] : memref<1x100000xf32, #tpu.memory_space<vmem>>[vector<16xi32>, vector<16xi32>], vector<16xf32>,
      %mul3A_96 = arith.mulf %get3A_92, %gather3A_95 : vector<16xf32>
      %swap3A_97 = arith.constant 1 : i32
      %swap3A_98 = arith.index_cast %swap3A_97 : i32 to index
      %swap3A_99 = arith.index_cast %mul3A_90 : i32 to index
      %swap3A_100 = tpu.vector_load %arg11[%swap3A_98, %swap3A_99] {strides = array<i32>} : memref<2x4096xf32, #tpu.memory_space<vmem>>, vector<16xf32>,
      tpu.vector_store %arg11[%swap3A_98, %swap3A_99], %mul3A_96 {strides = array<i32>} : memref<2x4096xf32, #tpu.memory_space<vmem>>, vector<16xf32>,
      %mul3A_101 = arith.constant 4 : i32
      %mul3A_102 = arith.muli %scan3A_71, %mul3A_101 : i32
      %add3A_103 = arith.constant 2 : i32
      %add3A_104 = arith.addi %mul3A_102, %add3A_103 : i32
      %mul3A_105 = arith.constant 16 : i32
      %mul3A_106 = arith.muli %add3A_104, %mul3A_105 : i32
      %get3A_107 = arith.index_cast %mul3A_106 : i32 to index
      %get3A_108 = tpu.vector_load %arg10[%get3A_107] {strides = array<i32>} : memref<4096xf32, #tpu.memory_space<vmem>>, vector<16xf32>,
      %get3A_109 = arith.index_cast %mul3A_106 : i32 to index
      %get3A_110 = tpu.vector_load %arg8[%get3A_109] {strides = array<i32>} : memref<4096xi32, #tpu.memory_space<vmem>>, vector<16xi32>,
      %gather3A_111 = tpu.vector_load_idx %arg9[%broadcast_in_dim3A_1, %get3A_110] : memref<1x100000xf32, #tpu.memory_space<vmem>>[vector<16xi32>, vector<16xi32>], vector<16xf32>,
      %mul3A_112 = arith.mulf %get3A_108, %gather3A_111 : vector<16xf32>
      %swap3A_113 = arith.constant 1 : i32
      %swap3A_114 = arith.index_cast %swap3A_113 : i32 to index
      %swap3A_115 = arith.index_cast %mul3A_106 : i32 to index
      %swap3A_116 = tpu.vector_load %arg11[%swap3A_114, %swap3A_115] {strides = array<i32>} : memref<2x4096xf32, #tpu.memory_space<vmem>>, vector<16xf32>,
      tpu.vector_store %arg11[%swap3A_114, %swap3A_115], %mul3A_112 {strides = array<i32>} : memref<2x4096xf32, #tpu.memory_space<vmem>>, vector<16xf32>,
      %mul3A_117 = arith.constant 4 : i32
      %mul3A_118 = arith.muli %scan3A_71, %mul3A_117 : i32
      %add3A_119 = arith.constant 3 : i32
      %add3A_120 = arith.addi %mul3A_118, %add3A_119 : i32
      %mul3A_121 = arith.constant 16 : i32
      %mul3A_122 = arith.muli %add3A_120, %mul3A_121 : i32
      %get3A_123 = arith.index_cast %mul3A_122 : i32 to index
      %get3A_124 = tpu.vector_load %arg10[%get3A_123] {strides = array<i32>} : memref<4096xf32, #tpu.memory_space<vmem>>, vector<16xf32>,
      %get3A_125 = arith.index_cast %mul3A_122 : i32 to index
      %get3A_126 = tpu.vector_load %arg8[%get3A_125] {strides = array<i32>} : memref<4096xi32, #tpu.memory_space<vmem>>, vector<16xi32>,
      %gather3A_127 = tpu.vector_load_idx %arg9[%broadcast_in_dim3A_1, %get3A_126] : memref<1x100000xf32, #tpu.memory_space<vmem>>[vector<16xi32>, vector<16xi32>], vector<16xf32>,
      %mul3A_128 = arith.mulf %get3A_124, %gather3A_127 : vector<16xf32>
      %swap3A_129 = arith.constant 1 : i32
      %swap3A_130 = arith.index_cast %swap3A_129 : i32 to index
      %swap3A_131 = arith.index_cast %mul3A_122 : i32 to index
      %swap3A_132 = tpu.vector_load %arg11[%swap3A_130, %swap3A_131] {strides = array<i32>} : memref<2x4096xf32, #tpu.memory_space<vmem>>, vector<16xf32>,
      tpu.vector_store %arg11[%swap3A_130, %swap3A_131], %mul3A_128 {strides = array<i32>} : memref<2x4096xf32, #tpu.memory_space<vmem>>, vector<16xf32>,
    }
    %scan3A_41 = arith.constant 64 : i32
    %dma_start3A_42 = arith.constant 1 : i32
    %dma_start3A_43 = arith.constant 0 : i32
    %dma_start3A_44 = tpu.memref_slice %arg11[%dma_start3A_42, %dma_start3A_43] : memref<2x4096xf32, #tpu.memory_space<vmem>> -> memref<1x4096xf32, #tpu.memory_space<vmem>>
    %dma_start3A_45 = arith.constant 0 : i32
    %dma_start3A_46 = tpu.memref_slice %arg6[%add3A_29, %dma_start3A_45] : memref<64x4096xf32, #tpu.memory_space<hbm>> -> memref<1x4096xf32, #tpu.memory_space<hbm>>
    %dma_start3A_47 = arith.constant 0 : i32
    %dma_start3A_48 = tpu.memref_slice %arg6[%add3A_29, %dma_start3A_47] : memref<64x4096xf32, #tpu.memory_space<hbm>> -> memref<1x4096xf32, #tpu.memory_space<hbm>>
    %dma_start3A_49 = arith.constant 1 : i32
    %dma_start3A_50 = arith.constant 0 : i32
    %dma_start3A_51 = tpu.memref_slice %arg11[%dma_start3A_49, %dma_start3A_50] : memref<2x4096xf32, #tpu.memory_space<vmem>> -> memref<1x4096xf32, #tpu.memory_space<vmem>>
    tpu.enqueue_dma source(%dma_start3A_51 : memref<1x4096xf32, #tpu.memory_space<vmem>>) target(%dma_start3A_48 : memref<1x4096xf32, #tpu.memory_space<hbm>>) target_semaphore(%arg13 : memref<!tpu.dma_semaphore, #tpu.memory_space<semaphore_mem>>)
    %dma_wait3A = arith.constant 0 : i32
    %dma_wait3A_52 = arith.constant 0 : i32
    %dma_wait3A_53 = tpu.memref_slice %arg11[%dma_wait3A, %dma_wait3A_52] : memref<2x4096xf32, #tpu.memory_space<vmem>> -> memref<1x4096xf32, #tpu.memory_space<vmem>>
    %dma_wait3A_54 = arith.constant 0 : i32
    %dma_wait3A_55 = tpu.memref_slice %arg6[%add3A_5, %dma_wait3A_54] : memref<64x4096xf32, #tpu.memory_space<hbm>> -> memref<1x4096xf32, #tpu.memory_space<hbm>>
    %dma_wait3A_56 = arith.constant 0 : i32
    %dma_wait3A_57 = tpu.memref_slice %arg6[%add3A_5, %dma_wait3A_56] : memref<64x4096xf32, #tpu.memory_space<hbm>> -> memref<1x4096xf32, #tpu.memory_space<hbm>>
    %dma_wait3A_58 = arith.constant 0 : i32
    %dma_wait3A_59 = arith.constant 0 : i32
    %dma_wait3A_60 = tpu.memref_slice %arg11[%dma_wait3A_58, %dma_wait3A_59] : memref<2x4096xf32, #tpu.memory_space<vmem>> -> memref<1x4096xf32, #tpu.memory_space<vmem>>
    tpu.wait_dma2 semaphore(%arg13 : memref<!tpu.dma_semaphore, #tpu.memory_space<semaphore_mem>>) src(%dma_wait3A_60 : memref<1x4096xf32, #tpu.memory_space<vmem>>) dst(%dma_wait3A_57 : memref<1x4096xf32, #tpu.memory_space<hbm>>)
    %dma_wait3A_61 = arith.constant 1 : i32
    %dma_wait3A_62 = arith.constant 0 : i32
    %dma_wait3A_63 = tpu.memref_slice %arg11[%dma_wait3A_61, %dma_wait3A_62] : memref<2x4096xf32, #tpu.memory_space<vmem>> -> memref<1x4096xf32, #tpu.memory_space<vmem>>
    %dma_wait3A_64 = arith.constant 0 : i32
    %dma_wait3A_65 = tpu.memref_slice %arg6[%add3A_29, %dma_wait3A_64] : memref<64x4096xf32, #tpu.memory_space<hbm>> -> memref<1x4096xf32, #tpu.memory_space<hbm>>
    %dma_wait3A_66 = arith.constant 0 : i32
    %dma_wait3A_67 = tpu.memref_slice %arg6[%add3A_29, %dma_wait3A_66] : memref<64x4096xf32, #tpu.memory_space<hbm>> -> memref<1x4096xf32, #tpu.memory_space<hbm>>
    %dma_wait3A_68 = arith.constant 1 : i32
    %dma_wait3A_69 = arith.constant 0 : i32
    %dma_wait3A_70 = tpu.memref_slice %arg11[%dma_wait3A_68, %dma_wait3A_69] : memref<2x4096xf32, #tpu.memory_space<vmem>> -> memref<1x4096xf32, #tpu.memory_space<vmem>>
    tpu.wait_dma2 semaphore(%arg13 : memref<!tpu.dma_semaphore, #tpu.memory_space<semaphore_mem>>) src(%dma_wait3A_70 : memref<1x4096xf32, #tpu.memory_space<vmem>>) dst(%dma_wait3A_67 : memref<1x4096xf32, #tpu.memory_space<hbm>>)
    return
  }
}

</mosaic_0001>

<sc_bundles>
// kernel: _gmf.3.cloned.1.call-start
scs
__scs_entry_jumppad:
0x0: {  	(pc) =	sbr.rel $0x88, $3  }
0x1: {  	(tag) =	ssettag $0x0;
	lr =	simm.s32 $0x1  }
0x2: {  	[smem:$0x3F9D] =	sst lr;
	_ =	strace $0xD0000000  }
0x3: {  	_ = 	snop  }
0x4: {  	_ = 	snop  }
0x5: {  	_ = 	snop  }
0x6: {  	_ = 	snop  }
0x7: {  	_ = 	snop  }
__scs_overlays_trampoline_lowered:
0x8: {  	[smem:$0x3FAC] =	sst s0  }
0x9: {  	[smem:$0x3FAD] =	sst s1  }
0xa: {  	[smem:$0x3FAE] =	sst s2  }
0xb: {  	[smem:$0x3FAF] =	sst s3  }
0xc: {  	[smem:$0x3FB0] =	sst s4  }
0xd: {  	[smem:$0x3FB1] =	sst s5  }
0xe: {  	[smem:$0x3FB2] =	sst s6  }
0xf: {  	[smem:$0x3FB3] =	sst s7  }
0x10: {  	[smem:$0x3FB4] =	sst s8  }
0x11: {  	[smem:$0x3FB5] =	sst s9;
	s0 =	simm.s32 @!p0 $0x0  }
0x12: {  	s1 =	sld [smem:$0x3F9B];
	s0 =	simm.s32 @p0 $0x1  }
0x13: {  	[smem:$0x3FB6] =	sst s0;
	s0 =	simm.s32 @!p1 $0x0  }
0x14: {  	s2 =	sld [smem:$0x3F9A];
	s0 =	simm.s32 @p1 $0x1  }
0x15: {  	[smem:$0x3FB7] =	sst s0;
	s0 =	simm.s32 @!p2 $0x0  }
0x16: {  	s3 =	sld [smem:$0x3FDB];
	s0 =	simm.s32 @p2 $0x1  }
0x17: {  	s4 =	simm.s32 $0x1BF5;
	[smem:$0x3FB9] =	sst s0  }
0x18: {  	s0 =	sld [smem:$0x3F9C];
	_ =	swait.ge [sflag:s4], $0x0  }
0x19: {  	s7 =	sld [smem:$0x3F9D]  }
0x1a: {  	s8 =	sadd.s32 $0xFFFFE003, lr  }
0x1b: {  	s9 =	sadd.s32 $0xFFFFFEF7, lr;
	s5 =	simm.s32 $0xFFFFFFFF;
	p2 =	slt.u32 s8, $0xFFFFF086  }
0x1c: {  	p1 =	slt.u32 s9, $0xF7A;
	s5 =	simm.s32 @!p2 $0x0  }
0x1d: {  	s5 =	simm.s32 @p1 $0x1;
	p0 =	seq.s32 s7, s2  }
0x1e: {  	s7 =	smul.u32 @!p0 $0xF7A, s2;
	p2 =	seq.s32 @!p0 s5, $0x0  }
0x1f: {  	s9 =	smul.u32 $0xF7A, s1;
	s8 =	simm.s32 @!p0 $0x1BF5;
	p2 =	por !p2, p0  }
0x20: {  	[sflag:s8] =	ssyncset.s32 @!p0 $0xFFFFF086;
	s6 =	sadd.s32 @!p0 s3, s7;
	s7 =	simm.s32 @!p0 $0x108  }
0x21: {  	s3 =	sadd.s32 s3, s9;
	s6 =	sadd.s32 @!p0 $0x88, s6;
	s7 =	simm.s32 @p2 $0x1082  }
0x22: {  	[simem:s7], [sflag:s8] =	dma.local @!p0 [hbm:s6], $0xF7A  }
0x23: {  	s9 =	sor.u32 $0xD0000000, s2;
	s6 =	simm.s32 $0x108;
	_ =	swait.ge @!p0 [sflag:s8], $0x0  }
0x24: {  	s3 =	sadd.s32 $0x88, s3;
	s6 =	simm.s32 @!p1 $0x1082;
	[sflag:s4] =	ssyncset.s32 $0xFFFFF086  }
0x25: {  	[simem:s6], [sflag:s4] =	dma.local [hbm:s3], $0xF7A  }
0x26: {  	[smem:$0x3F9D] =	sst s1;
	(tag) =	ssettag s2;
	_ =	strace s9  }
0x27: {  	s1 =	sld [smem:$0x3FAD]  }
0x28: {  	s2 =	sld [smem:$0x3FAE]  }
0x29: {  	s4 =	sld [smem:$0x3FB0]  }
0x2a: {  	p0 =	seq.s32 s5, $0x0;
	s5 =	sld [smem:$0x3FB1]  }
0x2b: {  	s6 =	sld [smem:$0x3FB2]  }
0x2c: {  	s7 =	sld [smem:$0x3FB3]  }
0x2d: {  	s3 =	simm.s32 $0x108;
	s8 =	sld [smem:$0x3FB4]  }
0x2e: {  	s3 =	simm.s32 @!p0 $0x1082;
	s9 =	sld [smem:$0x3FB5]  }
0x2f: {  	lr =	sadd.s32 s0, s3;
	s0 =	sld [smem:$0x3FAC]  }
0x30: {  	s3 =	sld [smem:$0x3FAF]  }
0x31: {  	[smem:$0x3FB8] =	sst s10  }
0x32: {  	s10 =	sld [smem:$0x3FB6];
	_ =	sdelay $0x3  }
0x33: {  	p0 =	seq.s32 s10, $0x1;
	s10 =	sld [smem:$0x3FB8];
	_ =	sdelay $0x3  }
0x34: {  	[smem:$0x3FB8] =	sst s10  }
0x35: {  	s10 =	sld [smem:$0x3FB7];
	_ =	sdelay $0x3  }
0x36: {  	p1 =	seq.s32 s10, $0x1;
	s10 =	sld [smem:$0x3FB8];
	_ =	sdelay $0x3  }
0x37: {  	[smem:$0x3FB8] =	sst s10  }
0x38: {  	s10 =	sld [smem:$0x3FB9]  }
0x39: {  	_ = 	snop;
	(pc) =	sbr.ind lr, $3  }
0x3a: {  	_ = 	snop  }
0x3b: {  	_ = 	snop  }
0x3c: {  	p2 =	seq.s32 s10, $0x1;
	s10 =	sld [smem:$0x3FB8]  }
0x3d: {  	_ =	shalt  }
0x3e: {  	_ =	shalt  }
0x3f: {  	_ =	shalt  }
0x40: {  	_ =	shalt  }
0x41: {  	_ =	shalt  }
0x42: {  	_ =	shalt  }
0x43: {  	_ =	shalt  }
0x44: {  	_ =	shalt  }
0x45: {  	_ =	shalt  }
0x46: {  	_ =	shalt  }
0x47: {  	_ =	shalt  }
0x48: {  	_ =	shalt  }
0x49: {  	_ =	shalt  }
0x4a: {  	_ =	shalt  }
0x4b: {  	_ =	shalt  }
0x4c: {  	_ =	shalt  }
0x4d: {  	_ =	shalt  }
0x4e: {  	_ =	shalt  }
0x4f: {  	_ =	shalt  }
0x50: {  	_ =	shalt  }
0x51: {  	_ =	shalt  }
0x52: {  	_ =	shalt  }
0x53: {  	_ =	shalt  }
0x54: {  	_ =	shalt  }
0x55: {  	_ =	shalt  }
0x56: {  	_ =	shalt  }
0x57: {  	_ =	shalt  }
0x58: {  	_ =	shalt  }
0x59: {  	_ =	shalt  }
0x5a: {  	_ =	shalt  }
0x5b: {  	_ =	shalt  }
0x5c: {  	_ =	shalt  }
0x5d: {  	_ =	shalt  }
0x5e: {  	_ =	shalt  }
0x5f: {  	_ =	shalt  }
0x60: {  	_ =	shalt  }
0x61: {  	_ =	shalt  }
0x62: {  	_ =	shalt  }
0x63: {  	_ =	shalt  }
0x64: {  	_ =	shalt  }
0x65: {  	_ =	shalt  }
0x66: {  	_ =	shalt  }
0x67: {  	_ =	shalt  }
0x68: {  	_ =	shalt  }
0x69: {  	_ =	shalt  }
0x6a: {  	_ =	shalt  }
0x6b: {  	_ =	shalt  }
0x6c: {  	_ =	shalt  }
0x6d: {  	_ =	shalt  }
0x6e: {  	_ =	shalt  }
0x6f: {  	_ =	shalt  }
0x70: {  	_ =	shalt  }
0x71: {  	_ =	shalt  }
0x72: {  	_ =	shalt  }
0x73: {  	_ =	shalt  }
0x74: {  	_ =	shalt  }
0x75: {  	_ =	shalt  }
0x76: {  	_ =	shalt  }
0x77: {  	_ =	shalt  }
0x78: {  	_ =	shalt  }
0x79: {  	_ =	shalt  }
0x7a: {  	_ =	shalt  }
0x7b: {  	_ =	shalt  }
0x7c: {  	_ =	shalt  }
0x7d: {  	_ =	shalt  }
0x7e: {  	_ =	shalt  }
0x7f: {  	_ =	shalt  }
0x80: {  	_ =	shalt  }
0x81: {  	_ =	shalt  }
0x82: {  	_ =	shalt  }
0x83: {  	_ =	shalt  }
0x84: {  	_ =	shalt  }
0x85: {  	_ =	shalt  }
0x86: {  	_ =	shalt  }
0x87: {  	_ =	shalt  }
.Lfunc_end0:
.L_simem_size_0:
called_computation_lowered:
.L_overlay_start_0:
0x88: {  	s2 =	sld [smem:$0x3FD9]  }
0x89: {  	s3 =	sld [smem:$0x3FFE];
	_ =	sdelay $0x1  }
0x8a: {  	s1 =	srdreg.scid  }
0x8b: {  	s0 =	sand.u32 $0x1, s1  }
0x8c: {  	s18 =	sshll.u32 s0, $0xA;
	s2 =	sadd.s32 s3, s2  }
0x8d: {  	s2 =	sadd.s32 s2, s18  }
0x8e: {  	[smem:$0x3FC4] =	sst s2  }
0x8f: {  	_ = 	snop  }
0x90: {  	s2 =	sld [smem:$0x3FC9]  }
0x91: {  	s19 =	sld [smem:$0x3FC8]  }
0x92: {  	s4 =	sld [smem:$0x3FC7]  }
0x93: {  	s5 =	sld [smem:$0x3FC6]  }
0x94: {  	s6 =	sld [smem:$0x3FD0];
	(tm) =	ssettm $0x1  }
0x95: {  	s7 =	sld [smem:$0x3FFB];
	_ =	sdelay $0x3  }
0x96: {  	_ =	strace s7  }
0x97: {  	s7 =	sld [smem:$0x3FFC];
	_ =	sdelay $0x3  }
0x98: {  	_ =	strace s7  }
0x99: {  	s7 =	sld [smem:$0x3FFD];
	_ =	sdelay $0x3  }
0x9a: {  	_ =	strace s7  }
0x9b: {  	_ =	strace $0x8FFFFFFF  }
0x9c: {  	s20 =	sld [smem:$0x3FDB];
	_ =	sdelay $0x1  }
0x9d: {  	s8 =	simm.s32 $_scs_section_size  }
0x9e: {  	s9 =	simm.s32 $_size__tile_overlayer_lowered;
	s10 =	simm.s32 $_tile_overlayer_lowered  }
0x9f: {  	s23 =	simm.s32 $0x1BFF;
	s22 =	sshll.u32 s10, $0x1;
	s7 =	sadd.s32 s8, s20  }
0xa0: {  	s11 =	simm.s32 $0x0;
	s21 =	sshll.u32 s9, $0x1;
	s9 =	sadd.s32 s22, s7  }
0xa1: {  	[timem:s11], [sflag:s23] =	dma.local [hbm:s9], s21  }
0xa2: {  	_ =	swait.ge [sflag:s23], s21  }
0xa3: {  	s8 =	ssub.s32 $0x0, s21;
	[sflag:s23] =	ssyncset.done $0x0  }
0xa4: {  	[sflag:s23] =	ssyncadd.s32 s8;
	_ =	sdelay $0x1  }
0xa5: {  	s24 =	simm.s32 $0x1B8B  }
0xa6: {  	_ =	swait.ge [sflag:s24], $0x1  }
0xa7: {  	[sflag:s24] =	ssyncset.done $0x0  }
0xa8: {  	s25 =	simm.s32 $0x1B8E;
	[sflag:s24] =	ssyncadd.s32 $0xFFFFFFFF  }
0xa9: {  	s26 =	simm.s32 $execute0_lowered;
	[smem:$0x3FD2] =	sst s25  }
0xaa: {  	s8 =	sshll.u32 s26, $0x1;
	_ =	strace $0x80000046;
	[dreg:$0x1] =	wrdreg $0xFFFFFFFF  }
0xab: {  	s28 =	simm.s32 $_size_execute0_lowered;
	s7 =	sadd.s32 s7, s8;
	[dreg:$0x0] =	wrdreg $0x0  }
0xac: {  	s8 =	sshll.u32 s28, $0x1;
	[dreg:$0x2] =	wrdreg s7  }
0xad: {  	[dreg:$0x3] =	wrdreg s8  }
0xae: {  	[dreg:$0x4] =	wrdreg $0xC0  }
0xaf: {  	_ =	task [dreg:s11], $0x5FFFF  }
0xb0: {  	[dreg:$0x1] =	wrdreg $0xFFFFFFFF  }
0xb1: {  	[dreg:$0x0] =	wrdreg $0x60  }
0xb2: {  	[dreg:$0x2] =	wrdreg s2  }
0xb3: {  	[dreg:$0x3] =	wrdreg s19  }
0xb4: {  	[dreg:$0x4] =	wrdreg s4  }
0xb5: {  	[dreg:$0x5] =	wrdreg s5  }
0xb6: {  	[dreg:$0x6] =	wrdreg s6  }
0xb7: {  	[dreg:$0x7] =	wrdreg $0x9  }
0xb8: {  	_ =	task.clear_ibuf [dreg:s11], $0x8FFFF;
	_ =	strace $0x90000046  }
0xb9: {  	s29 =	simm.s32 $0x9;
	_ =	strace $0x80000048  }
0xba: {  	_ =	swait.ge [sflag:s29], $0x1  }
0xbb: {  	[sflag:s29] =	ssyncadd.s32 $0xFFFFFFFF  }
0xbc: {  	_ =	strace $0x90000048  }
0xbd: {  	_ =	sfence  }
0xbe: {  	s30 =	sld [smem:$0x0];
	_ =	sdelay $0x2  }
0xbf: {  	s31 =	sshll.u32 s1, $0xD;
	s1 =	sshrl.u32 s1, $0x2  }
0xc0: {  	s3 =	sand.u32 $0x4000, s31;
	s1 =	sadd.s32 s1, s30  }
0xc1: {  	s0 =	sor.u32 s3, s0;
	s1 =	sshll.u32 s1, $0x11  }
0xc2: {  	s0 =	sor.u32 s1, s0  }
0xc3: {  	s0 =	sadd.s32 $0x8F2B, s0  }
0xc4: {  	[sflag:s0] =	ssyncadd.remote.s32 $0x1  }
0xc5: {  	_ =	sfence.sel $0xFFFF  }
0xc6: {  	[dreg:$0x0] =	wrdreg $0xFFFFFFFF;
	(pc) =	sbr.abs _section_cstart, $3  }
0xc7: {  	[dreg:$0x1] =	wrdreg $0xFFFFFFFF  }
0xc8: {  	_ =	task.clear_ibuf [dreg:s11], $0x2FFFF;
	_ =	strace $0x9FFFFFFF  }
0xc9: {  	(tm) =	ssettm $0x7FFFFFFF  }
tec
execute0_lowered:
.L_overlay_start_1:
0x0: {  	(tag) =	ssettag $0x1  }
0x1: {  	s0 =	rddreg [dreg:$0x0]  }
0x2: {  	s1 =	rddreg [dreg:$0x1]  }
0x3: {  	s8 =	rddreg [dreg:$0x2]  }
0x4: {  	s9 =	rddreg [dreg:$0x3]  }
0x5: {  	s10 =	rddreg [dreg:$0x4]  }
0x6: {  	s3 =	srdreg.scid;
	s2 =	stileid.u32  }
0x7: {  	s4 =	simm.s32 $0x0;
	s15 =	simm.s32 $0x2000;
	s16 =	simm.s32 $0x3  }
0x8: {  	s17 =	simm.s32 $0x1;
	s18 =	simm.s32 $0x2;
	s19 =	simm.s32 $0x0  }
0x9: {  	s5 =	sand.u32 $0x1, s3;
	s28 =	sshll.u32 s2, $0x9;
	s3 =	rddreg [dreg:$0x5]  }
0xa: {  	s6 =	sshrl.u32 s2, $0x1;
	[smem:$0x7FF] =	sst s4;
	s7 =	sshll.u32 s5, $0x8  }
0xb: {  	s11 =	sand.u32 $0x200, s28;
	s12 =	smul.u32 $0xC3800, s6;
	s5 =	ssub.s32 $0x2, s5  }
0xc: {  	_ =	strace $0x80000047;
	s7 =	sor.u32 s7, s11;
	s13 =	sshrl.u32 s5, $0x1  }
0xd: {  	s14 =	sshll.u32 s6, $0xF;
	s11 =	sor.u32 s12, s7;
	s13 =	ssub.s32 s5, s13  }
0xe: {  	s29 =	sor.u32 s14, s7;
	s7 =	sor.u32 $0x80, s7;
	s11 =	sshrl.u32 s11, $0x3  }
0xf: {  	s12 =	sor.u32 s12, s7;
	s14 =	sor.u32 s14, s7;
	s5 =	sadd.s32 s8, s11  }
0x10: {  	s6 =	sadd.s32 s9, s11;
	s11 =	sshrl.u32 s29, $0x3;
	s30 =	sshrl.u32 s12, $0x3  }
0x11: {  	s31 =	sshrl.u32 s14, $0x3;
	s12 =	simm.s32 $0x1000;
	s14 =	simm.s32 $0x400  }
0x12: {  	s7 =	sadd.s32 s10, s11;
	s8 =	sadd.s32 s8, s30;
	s9 =	sadd.s32 s9, s30  }
0x13: {  	s10 =	sadd.s32 s10, s31;
	s11 =	smax.u32 s13, $0x1;
	s13 =	simm.s32 $0x80  }
.LBB2_1:
0x14: {  	[tilespmem:s4], [sflag:$0x1] =	stream.linear.gather [hbm4b:s0+s4], $0x1000, $0x38;
	[tilespmem:$0x1D700] =	vst v63  }
0x15: {  	_ = 	snop  }
0x16: {  	[tilespmem:s12], [sflag:$0x1] =	stream.linear.gather [hbm4b:s1+s4], $0x1000, $0x38;
	[tilespmem:$0x1D700] =	vst v63  }
0x17: {  	_ = 	snop  }
0x18: {  	[tilespmem:s15], [sflag:$0x3] =	stream.strided.gather [hbm4b:s5+s13], $0x18700, s14, s13, $0x38;
	[tilespmem:$0x1D700] =	vst v63  }
0x19: {  	_ =	swait.ge [sflag:s16], $0x18700  }
0x1a: {  	[sflag:s16] =	ssyncset.done $0x0  }
0x1b: {  	[sflag:s16] =	ssyncadd.s32 $0xFFFE7900  }
0x1c: {  	_ =	swait.ge [sflag:s17], $0x1000  }
0x1d: {  	[sflag:s17] =	ssyncset.done $0x0  }
0x1e: {  	[sflag:s17] =	ssyncadd.s32 $0xFFFFF000  }
0x1f: {  	_ =	swait.ge [sflag:s17], $0x1000  }
0x20: {  	[sflag:s17] =	ssyncset.done $0x0  }
0x21: {  	s20 =	simm.s32 $0x0;
	[sflag:s17] =	ssyncadd.s32 $0xFFFFF000  }
0x22: {  	v0 =	vld [tilespmem:s20+$0x0];
	_ =	sdelay $0x5  }
0x23: {  	v1 =	vld [tilespmem:s20+$0x10];
	_ =	sdelay $0x1  }
0x24: {  	v0 =	vld.idx.msk [tilespmem:v0+s15+$0x0], $0xffff;
	_ =	sdelay $0x4  }
0x25: {  	v2 =	vld [tilespmem:s20+$0x20];
	[tilespmem:s20+$0x1A700] =	vst v0  }
0x26: {  	v0 =	vld.idx.msk [tilespmem:v1+s15+$0x0], $0xffff;
	_ =	sdelay $0x4  }
0x27: {  	[tilespmem:s20+$0x1A710] =	vst v0;
	v0 =	vld [tilespmem:s20+$0x30];
	_ =	sdelay $0x1  }
0x28: {  	v1 =	vld.idx.msk [tilespmem:v2+s15+$0x0], $0xffff;
	_ =	sdelay $0x3  }
0x29: {  	s22 =	simm.s32 $0x40;
	s21 =	simm.s32 $0x200  }
.LBB2_2:
0x2a: {  	p0 =	sne.s32 s21, $0x3F00;
	v2 =	vld [tilespmem:s22+$0x0];
	[tilespmem:s20+$0x1A720] =	vst v1  }
0x2b: {  	v0 =	vld.idx.msk [tilespmem:v0+s15+$0x0], $0xffff;
	_ =	sdelay $0x5  }
0x2c: {  	v1 =	vld [tilespmem:s22+$0x10];
	[tilespmem:s20+$0x1A730] =	vst v0;
	s20 =	smov.u32 s22  }
0x2d: {  	v0 =	vld.idx.msk [tilespmem:v2+s15+$0x0], $0xffff;
	_ =	sdelay $0x5  }
0x2e: {  	[tilespmem:s20+$0x1A700] =	vst v0;
	v2 =	vld [tilespmem:s20+$0x20]  }
0x2f: {  	v0 =	vld.idx.msk [tilespmem:v1+s15+$0x0], $0xffff;
	_ =	sdelay $0x5  }
0x30: {  	[tilespmem:s20+$0x1A710] =	vst v0;
	v0 =	vld [tilespmem:s20+$0x30]  }
0x31: {  	v1 =	vld.idx.msk [tilespmem:v2+s15+$0x0], $0xffff  }
.Ltmp0:
0x32: {  	(pc) =	sbr.rel @p0 .LBB2_2-.Ltmp0, $2  }
0x33: {  	_ =	sdelay $0x2  }
0x34: {  	s22 =	sshra.s32 s21, $0x2;
	s21 =	sadd.s32 $0x100, s21  }
0x35: {  	_ =	sdelay $0x1  }
0x36: {  	v2 =	vld [tilespmem:s22+$0x0]  }
0x37: {  	[tilespmem:s20+$0x1A720] =	vst v1  }
0x38: {  	v0 =	vld.idx.msk [tilespmem:v0+s15+$0x0], $0xffff;
	_ =	sdelay $0x3  }
0x39: {  	v1 =	vld [tilespmem:s22+$0x10]  }
0x3a: {  	[tilespmem:s20+$0x1A730] =	vst v0  }
0x3b: {  	v0 =	vld.idx.msk [tilespmem:v2+s15+$0x0], $0xffff;
	_ =	sdelay $0x3  }
0x3c: {  	v62 =	vld [tilespmem:s22+$0x20]  }
0x3d: {  	[tilespmem:s22+$0x1A700] =	vst v0  }
0x3e: {  	v1 =	vld.idx.msk [tilespmem:v1+s15+$0x0], $0xffff;
	_ =	sdelay $0x3  }
0x3f: {  	v63 =	vld [tilespmem:s22+$0x30]  }
0x40: {  	[tilespmem:s22+$0x1A710] =	vst v1  }
0x41: {  	v0 =	vld.idx.msk [tilespmem:v62+s15+$0x0], $0xffff;
	_ =	sdelay $0x4  }
0x42: {  	[tilespmem:s22+$0x1A720] =	vst v0  }
0x43: {  	v0 =	vld.idx.msk [tilespmem:v63+s15+$0x0], $0xffff;
	_ =	sdelay $0x4  }
0x44: {  	[tilespmem:s22+$0x1A730] =	vst v0  }
0x45: {  	[tilespmem:s15], [sflag:$0x3] =	stream.strided.gather [hbm4b:s6+s13], $0x18700, s14, s13, $0x38;
	[tilespmem:$0x1D700] =	vst v63  }
0x46: {  	_ =	swait.ge [sflag:s16], $0x18700  }
0x47: {  	s21 =	simm.s32 $0x1A700;
	s23 =	simm.s32 $0x0;
	[sflag:s16] =	ssyncset.done $0x0  }
0x48: {  	s20 =	simm.s32 $0x0;
	s22 =	simm.s32 $0x1000;
	[sflag:s16] =	ssyncadd.s32 $0xFFFE7900  }
.LBB2_4:
0x49: {  	v0 =	vld [tilespmem:s22+$0x0];
	_ =	sdelay $0x6  }
0x4a: {  	v1 =	vld [tilespmem:s21+$0x0]  }
0x4b: {  	v0 =	vld.idx.msk [tilespmem:v0+s15+$0x0], $0xffff;
	_ =	sdelay $0x3  }
0x4c: {  	s24 =	sand.u32 $0x1F00, s20  }
0x4d: {  	s25 =	sand.u32 $0x40, s23;
	s24 =	sadd.s32 $0x1B700, s24;
	v0 =	vmul.f32 v0, v1  }
0x4e: {  	s29 =	sand.u32 $0xF80, s23;
	s28 =	sor.u32 $0x10, s25;
	s26 =	sor.u32 s25, s24  }
0x4f: {  	s30 =	sor.u32 s29, s28;
	[tilespmem:s26+$0x0] =	vst v0  }
0x50: {  	v0 =	vld [tilespmem:s30+$0x1000];
	_ =	sdelay $0x6  }
0x51: {  	v61 =	vld [tilespmem:s30+$0x1A700]  }
0x52: {  	v0 =	vld.idx.msk [tilespmem:v0+s15+$0x0], $0xffff;
	_ =	sdelay $0x4  }
0x53: {  	v0 =	vmul.f32 v0, v61  }
0x54: {  	s31 =	sor.u32 s28, s24;
	s30 =	sor.u32 $0x20, s25  }
0x55: {  	[tilespmem:s31+$0x0] =	vst v0;
	s31 =	sor.u32 s29, s30  }
0x56: {  	v0 =	vld [tilespmem:s31+$0x1000];
	_ =	sdelay $0x6  }
0x57: {  	v62 =	vld [tilespmem:s31+$0x1A700]  }
0x58: {  	v0 =	vld.idx.msk [tilespmem:v0+s15+$0x0], $0xffff;
	_ =	sdelay $0x4  }
0x59: {  	v0 =	vmul.f32 v0, v62  }
0x5a: {  	s25 =	sor.u32 $0x30, s25;
	s30 =	sor.u32 s30, s24  }
0x5b: {  	s31 =	sor.u32 s29, s25;
	[tilespmem:s30+$0x0] =	vst v0  }
0x5c: {  	v0 =	vld [tilespmem:s31+$0x1000];
	_ =	sdelay $0x6  }
0x5d: {  	v63 =	vld [tilespmem:s31+$0x1A700]  }
0x5e: {  	v0 =	vld.idx.msk [tilespmem:v0+s15+$0x0], $0xffff;
	_ =	sdelay $0x1  }
0x5f: {  	p0 =	sne.s32 s23, $0xFC0  }
.Ltmp1:
0x60: {  	_ = 	snop;
	(pc) =	sbr.rel @p0 .LBB2_4-.Ltmp1, $4  }
0x61: {  	_ = 	snop  }
0x62: {  	v0 =	vmul.f32 v0, v63  }
0x63: {  	s20 =	sadd.s32 $0x80, s20;
	s24 =	sor.u32 s25, s24  }
0x64: {  	s21 =	sadd.s32 $0x40, s21;
	s22 =	sadd.s32 $0x40, s22;
	s23 =	sadd.s32 $0x40, s23;
	[tilespmem:s24+$0x0] =	vst v0  }
0x65: {  	s20 =	simm.s32 $0x1B700  }
0x66: {  	s21 =	simm.s32 $0x80;
	s23 =	sadd.s32 $0x0, s7;
	s22 =	simm.s32 $0x1B800  }
.LBB2_6:
0x67: {  	[hbm4b:s23+s4] =	stream.linear.scatter [tilespmem:s20], [sflag:$0x2], $0x80, $0x38;
	[tilespmem:$0x1D700] =	vst v63  }
0x68: {  	s23 =	smov.u32 s21;
	s20 =	smov.u32 s22;
	p0 =	sne.s32 s21, $0xF80  }
.Ltmp2:
0x69: {  	s21 =	sadd.s32 $0x80, s21;
	(pc) =	sbr.rel @p0 .LBB2_6-.Ltmp2, $2  }
0x6a: {  	_ =	sdelay $0x2  }
0x6b: {  	s22 =	sadd.s32 $0x100, s22;
	s23 =	sadd.s32 s23, s7  }
0x6c: {  	[hbm4b:s23+s4] =	stream.linear.scatter [tilespmem:s20], [sflag:$0x2], $0x80, $0x38;
	[tilespmem:$0x1D700] =	vst v63  }
0x6d: {  	_ = 	snop  }
0x6e: {  	[tilespmem:s15], [sflag:$0x3] =	stream.strided.gather [hbm4b:s8+s13], $0x18700, s14, s13, $0x38;
	[tilespmem:$0x1D700] =	vst v63  }
0x6f: {  	_ =	swait.ge [sflag:s16], $0x18700  }
0x70: {  	[sflag:s16] =	ssyncset.done $0x0  }
0x71: {  	s20 =	simm.s32 $0x0;
	[sflag:s16] =	ssyncadd.s32 $0xFFFE7900  }
0x72: {  	v0 =	vld [tilespmem:s20+$0x0];
	_ =	sdelay $0x5  }
0x73: {  	v1 =	vld [tilespmem:s20+$0x10];
	_ =	sdelay $0x1  }
0x74: {  	v0 =	vld.idx.msk [tilespmem:v0+s15+$0x0], $0xffff;
	_ =	sdelay $0x4  }
0x75: {  	v2 =	vld [tilespmem:s20+$0x20];
	[tilespmem:s20+$0x1A700] =	vst v0  }
0x76: {  	v0 =	vld.idx.msk [tilespmem:v1+s15+$0x0], $0xffff;
	_ =	sdelay $0x4  }
0x77: {  	[tilespmem:s20+$0x1A710] =	vst v0;
	v0 =	vld [tilespmem:s20+$0x30];
	_ =	sdelay $0x1  }
0x78: {  	v1 =	vld.idx.msk [tilespmem:v2+s15+$0x0], $0xffff;
	_ =	sdelay $0x3  }
0x79: {  	s22 =	simm.s32 $0x40;
	s21 =	simm.s32 $0x200  }
.LBB2_8:
0x7a: {  	p0 =	sne.s32 s21, $0x3F00;
	v2 =	vld [tilespmem:s22+$0x0];
	[tilespmem:s20+$0x1A720] =	vst v1  }
0x7b: {  	v0 =	vld.idx.msk [tilespmem:v0+s15+$0x0], $0xffff;
	_ =	sdelay $0x5  }
0x7c: {  	v1 =	vld [tilespmem:s22+$0x10];
	[tilespmem:s20+$0x1A730] =	vst v0;
	s20 =	smov.u32 s22  }
0x7d: {  	v0 =	vld.idx.msk [tilespmem:v2+s15+$0x0], $0xffff;
	_ =	sdelay $0x5  }
0x7e: {  	[tilespmem:s20+$0x1A700] =	vst v0;
	v2 =	vld [tilespmem:s20+$0x20]  }
0x7f: {  	v0 =	vld.idx.msk [tilespmem:v1+s15+$0x0], $0xffff;
	_ =	sdelay $0x5  }
0x80: {  	[tilespmem:s20+$0x1A710] =	vst v0;
	v0 =	vld [tilespmem:s20+$0x30]  }
0x81: {  	v1 =	vld.idx.msk [tilespmem:v2+s15+$0x0], $0xffff  }
.Ltmp3:
0x82: {  	(pc) =	sbr.rel @p0 .LBB2_8-.Ltmp3, $2  }
0x83: {  	_ =	sdelay $0x2  }
0x84: {  	s22 =	sshra.s32 s21, $0x2;
	s21 =	sadd.s32 $0x100, s21  }
0x85: {  	_ =	sdelay $0x1  }
0x86: {  	v2 =	vld [tilespmem:s22+$0x0]  }
0x87: {  	[tilespmem:s20+$0x1A720] =	vst v1  }
0x88: {  	v0 =	vld.idx.msk [tilespmem:v0+s15+$0x0], $0xffff;
	_ =	sdelay $0x3  }
0x89: {  	v1 =	vld [tilespmem:s22+$0x10]  }
0x8a: {  	[tilespmem:s20+$0x1A730] =	vst v0  }
0x8b: {  	v0 =	vld.idx.msk [tilespmem:v2+s15+$0x0], $0xffff;
	_ =	sdelay $0x3  }
0x8c: {  	v62 =	vld [tilespmem:s22+$0x20]  }
0x8d: {  	[tilespmem:s22+$0x1A700] =	vst v0  }
0x8e: {  	v1 =	vld.idx.msk [tilespmem:v1+s15+$0x0], $0xffff;
	_ =	sdelay $0x3  }
0x8f: {  	v63 =	vld [tilespmem:s22+$0x30]  }
0x90: {  	[tilespmem:s22+$0x1A710] =	vst v1  }
0x91: {  	v0 =	vld.idx.msk [tilespmem:v62+s15+$0x0], $0xffff;
	_ =	sdelay $0x4  }
0x92: {  	[tilespmem:s22+$0x1A720] =	vst v0  }
0x93: {  	v0 =	vld.idx.msk [tilespmem:v63+s15+$0x0], $0xffff;
	_ =	sdelay $0x4  }
0x94: {  	[tilespmem:s22+$0x1A730] =	vst v0  }
0x95: {  	[tilespmem:s15], [sflag:$0x3] =	stream.strided.gather [hbm4b:s9+s13], $0x18700, s14, s13, $0x38;
	[tilespmem:$0x1D700] =	vst v63  }
0x96: {  	p0 =	por $0x0, $0x0;
	_ =	swait.ge [sflag:s16], $0x18700  }
0x97: {  	s21 =	simm.s32 $0x1A700;
	s23 =	simm.s32 $0x0;
	[sflag:s16] =	ssyncset.done $0x0  }
0x98: {  	s20 =	simm.s32 $0x0;
	s22 =	simm.s32 $0x1000;
	[sflag:s16] =	ssyncadd.s32 $0xFFFE7900  }
.LBB2_10:
0x99: {  	v0 =	vld [tilespmem:s22+$0x0];
	_ =	sdelay $0x6  }
0x9a: {  	v1 =	vld [tilespmem:s21+$0x0]  }
0x9b: {  	v0 =	vld.idx.msk [tilespmem:v0+s15+$0x0], $0xffff;
	_ =	sdelay $0x1  }
0x9c: {  	s24 =	simm.s32 $0x1  }
0x9d: {  	s24 =	simm.s32 @!p0 $0x0  }
0x9e: {  	s24 =	sshll.u32 s24, $0x6  }
0x9f: {  	s24 =	sadd.s32 s24, s23;
	v0 =	vmul.f32 v0, v1  }
0xa0: {  	s25 =	sor.u32 $0x80, s24  }
0xa1: {  	s30 =	sand.u32 $0xFC0, s20;
	[tilespmem:s25+$0x1B700] =	vst v0  }
0xa2: {  	v0 =	vld [tilespmem:s30+$0x1010];
	_ =	sdelay $0x6  }
0xa3: {  	v61 =	vld [tilespmem:s30+$0x1A710]  }
0xa4: {  	v0 =	vld.idx.msk [tilespmem:v0+s15+$0x0], $0xffff;
	_ =	sdelay $0x4  }
0xa5: {  	s26 =	sadd.s32 $0x10, s24;
	v0 =	vmul.f32 v0, v61  }
0xa6: {  	s26 =	sor.u32 $0x80, s26  }
0xa7: {  	[tilespmem:s26+$0x1B700] =	vst v0  }
0xa8: {  	v0 =	vld [tilespmem:s30+$0x1020];
	_ =	sdelay $0x6  }
0xa9: {  	v62 =	vld [tilespmem:s30+$0x1A720]  }
0xaa: {  	v0 =	vld.idx.msk [tilespmem:v0+s15+$0x0], $0xffff;
	_ =	sdelay $0x4  }
0xab: {  	s31 =	sadd.s32 $0x20, s24;
	v0 =	vmul.f32 v0, v62  }
0xac: {  	s26 =	sor.u32 $0x80, s31  }
0xad: {  	[tilespmem:s26+$0x1B700] =	vst v0  }
0xae: {  	v0 =	vld [tilespmem:s30+$0x1030];
	_ =	sdelay $0x6  }
0xaf: {  	v63 =	vld [tilespmem:s30+$0x1A730]  }
0xb0: {  	v0 =	vld.idx.msk [tilespmem:v0+s15+$0x0], $0xffff;
	_ =	sdelay $0x1  }
0xb1: {  	p1 =	sne.s32 s23, $0x1F80  }
.Ltmp4:
0xb2: {  	_ = 	snop;
	(pc) =	sbr.rel @p1 .LBB2_10-.Ltmp4, $4  }
0xb3: {  	_ = 	snop  }
0xb4: {  	s24 =	sadd.s32 $0x30, s24;
	v0 =	vmul.f32 v0, v63  }
0xb5: {  	s20 =	sadd.s32 $0x40, s20;
	s21 =	sadd.s32 $0x40, s21;
	s24 =	sor.u32 $0x80, s24  }
0xb6: {  	s22 =	sadd.s32 $0x40, s22;
	p0 =	por !p0, !p0;
	s23 =	sadd.s32 $0x80, s23;
	[tilespmem:s24+$0x1B700] =	vst v0  }
0xb7: {  	s20 =	simm.s32 $0x1B780  }
0xb8: {  	s21 =	simm.s32 $0x80;
	s23 =	sadd.s32 $0x0, s10;
	s22 =	simm.s32 $0x1B880  }
.LBB2_12:
0xb9: {  	[hbm4b:s23+s4] =	stream.linear.scatter [tilespmem:s20], [sflag:$0x2], $0x80, $0x38;
	[tilespmem:$0x1D700] =	vst v63  }
0xba: {  	s23 =	smov.u32 s21;
	s20 =	smov.u32 s22;
	p0 =	sne.s32 s21, $0xF80  }
.Ltmp5:
0xbb: {  	s21 =	sadd.s32 $0x80, s21;
	(pc) =	sbr.rel @p0 .LBB2_12-.Ltmp5, $2  }
0xbc: {  	_ =	sdelay $0x2  }
0xbd: {  	s22 =	sadd.s32 $0x100, s22;
	s23 =	sadd.s32 s23, s10  }
0xbe: {  	[hbm4b:s23+s4] =	stream.linear.scatter [tilespmem:s20], [sflag:$0x2], $0x80, $0x38;
	[tilespmem:$0x1D700] =	vst v63  }
0xbf: {  	s19 =	sadd.s32 $0x1, s19  }
0xc0: {  	_ =	swait.ge [sflag:s18], $0x1000;
	p0 =	sne.s32 s19, s11  }
.Ltmp6:
0xc1: {  	[sflag:s18] =	ssyncset.done $0x0;
	(pc) =	sbr.rel @p0 .LBB2_1-.Ltmp6, $4  }
0xc2: {  	[sflag:s18] =	ssyncadd.s32 $0xFFFFF000  }
0xc3: {  	_ =	swait.ge [sflag:s18], $0x1000  }
0xc4: {  	[sflag:s18] =	ssyncset.done $0x0  }
0xc5: {  	[sflag:s18] =	ssyncadd.s32 $0xFFFFF000  }
0xc6: {  	_ =	sfence.sel $0x180000  }
0xc7: {  	[bflag:$0x0] =	sbarrier.arrive $0xFFFF  }
0xc8: {  	p0 =	sne.s32 s2, $0x0;
	_ =	strace $0x90000047  }
0xc9: {  	s0 =	sadd.s32 @!p0 $0x100000, s3;
	[bflag:$0x2] =	sbarrier.arrive $0xFFFF  }
0xca: {  	[sflag:s0] =	ssyncadd.tile.s32 @!p0 $0x1;
	_ =	shalt  }
.Lfunc_end2:
_tile_overlayer_lowered:
.L_overlay_start_2:
0xcb: {  	(tag) =	ssettag $0x2  }
0xcc: {  	s0 =	rddreg [dreg:$0x0];
	s2 =	stileid.u32  }
0xcd: {  	s1 =	rddreg [dreg:$0x1];
	p0 =	sne.s32 s2, $0x0  }
0xce: {  	s3 =	rddreg [dreg:$0x2];
	[bflag:$0x3] =	sbarrier.arrive $0xFFFF;
	s2 =	simm.s32 @!p0 $0x1C03  }
0xcf: {  	[timem:s3], [sflag:s2] =	dma.local @!p0 [hbm:s0], s1  }
0xd0: {  	s0 =	simm.s32 @!p0 $0x3  }
0xd1: {  	_ =	swait.ge @!p0 [sflag:s0], s1  }
0xd2: {  	s1 =	ssub.s32 @!p0 $0x0, s1;
	[sflag:s0] =	ssyncset.done @!p0 $0x0  }
0xd3: {  	[sflag:s0] =	ssyncadd.s32 @!p0 s1  }
0xd4: {  	[bflag:$0x3] =	sbarrier.arrive $0xFFFF  }
0xd5: {  	_ =	shalt  }

</sc_bundles>
